<compile_context>
chip_gen: v7x
topology: tpu7x:2x2x1
jax: 0.10.2.dev20260603
libtpu: 0.0.44.dev20260713+nightly
codegen_flags: <defaults>
</compile_context>

<pallas_src>
import functools

import jax
import jax.numpy as jnp
from jax import lax
from jax.experimental import pallas as pl
from jax.experimental.pallas import tpu as pltpu
from jax.experimental.pallas import tpu_sc as plsc

B = 16384
F = 26
V = 100000
D = 16
NUM = 13
OW = NUM + F * D
OWP = 432

L = 16
NC, NS = 2, 16
NW = NC * NS
COLS = F * D
CPW = COLS // NW
SL = 128
NST = B // SL


@functools.partial(
    pl.kernel,
    out_type=jax.ShapeDtypeStruct((OWP * B,), jnp.float32),
    mesh=plsc.VectorSubcoreMesh(core_axis_name="c", subcore_axis_name="s"),
    scratch_types=[
        pltpu.VMEM((2, B), jnp.int32),
        pltpu.VMEM((2, B), jnp.float32),
        pltpu.VMEM((B,), jnp.float32),
        pltpu.SemaphoreType.DMA,
        pltpu.SemaphoreType.DMA,
    ],
    compiler_params=pltpu.CompilerParams(use_tc_tiling_on_sc=False),
)
def _emb_kernel(tab_hbm, idx_hbm, num_hbm, out_hbm, idx2, col2, numv, gsem, wsem):
    wid = lax.axis_index("s") * NC + lax.axis_index("c")

    def prep(c):
        j = wid * CPW + c
        f = lax.div(j, D)
        pltpu.sync_copy(idx_hbm.at[pl.ds(f * B, B)], idx2.at[c % 2])
        off = j * V

        def addo(p, carry):
            idx2[c % 2, pl.ds(p * L, L)] = idx2[c % 2, pl.ds(p * L, L)] + off
            return carry

        lax.fori_loop(0, B // L, addo, 0)

    def fire(c):
        def go(k, carry):
            pltpu.make_async_copy(
                tab_hbm.at[idx2.at[c % 2, pl.ds(k * SL, SL)]],
                col2.at[c % 2, pl.ds(k * SL, SL)],
                gsem,
            ).start()
            return carry

        lax.fori_loop(0, NST, go, 0)

    def drain(c):
        def go(k, carry):
            pltpu.make_async_copy(
                tab_hbm.at[idx2.at[c % 2, pl.ds(k * SL, SL)]],
                col2.at[c % 2, pl.ds(k * SL, SL)],
                gsem,
            ).wait()
            return carry

        lax.fori_loop(0, NST, go, 0)

    def wb(c):
        j = wid * CPW + c
        return pltpu.make_async_copy(
            col2.at[c % 2],
            out_hbm.at[pl.ds((NUM + j) * B, B)],
            wsem,
        )

    prep(0)
    fire(0)

    def body(c, carry):
        @pl.when(c + 1 < CPW)
        def _():
            prep(c + 1)

            @pl.when(c >= 1)
            def _():
                wb(c - 1).wait()

            fire(c + 1)

        drain(c)
        wb(c).start()
        return carry

    lax.fori_loop(0, CPW, body, 0)
    wb(CPW - 2).wait()
    wb(CPW - 1).wait()

    @pl.when(wid < NUM)
    def _():
        pltpu.sync_copy(num_hbm.at[pl.ds(wid * B, B)], numv)
        pltpu.sync_copy(numv, out_hbm.at[pl.ds(wid * B, B)])


def kernel(indices, numerical, tables):
    tab = jnp.transpose(tables, (0, 2, 1)).reshape(F * D * V)
    idx_t = jnp.transpose(indices).reshape(F * B)
    num_t = jnp.transpose(numerical).reshape(NUM * B)
    out = _emb_kernel(tab, idx_t, num_t)
    return jnp.transpose(out.reshape(OWP, B))[:, :OW]

# --- scband reference (transcript-rebuilt; emitter-appended) ---
"""Pipeline reference for scband-transform-4226247819737 (READ-ONLY COPY).

The authoritative reference and input builder live on the scoring server;
editing this copy changes nothing except your own understanding.
"""

import jax, jax.numpy as jnp
import numpy as np

B = 16384   # batch
F = 26      # n_sparse_fields
V = 100000  # vocab per field
D = 16      # embedding_dim per field
NUM = 13    # numerical feature count


def setup_inputs(seed: int = 0) -> dict:
    key = jax.random.key(seed)
    k1, k2, k3 = jax.random.split(key, 3)
    indices = jax.random.randint(k1, (B, F), 0, V, dtype=jnp.int32)
    numerical = jax.random.normal(k2, (B, NUM), dtype=jnp.float32)
    # learned per-field embedding tables (the Encoder's embedding parameters)
    tables = jax.random.normal(k3, (F, V, D), dtype=jnp.float32) * 0.01
    return {"indices": indices, "numerical": numerical, "tables": tables}


def reference(indices, numerical, tables):
    # Transform with use_one_hot=False, use_embedding=True, only_categorical=False:
    #   categorical.embedding = concat of per-field embedding lookups
    #   output = cat([numerical, embedding], dim=1)
    # tables: [F, V, D]; indices: [B, F]
    idx_fb = jnp.transpose(indices, (1, 0))               # [F, B]
    emb = jnp.take_along_axis(tables, idx_fb[:, :, None], axis=1)  # [F, B, D]
    emb = jnp.transpose(emb, (1, 0, 2)).reshape(indices.shape[0], F * D)  # [B, F*D]
    out = jnp.concatenate([numerical, emb], axis=1)       # [B, NUM + F*D]
    return out

if __name__ == "__main__":
    import jax
    _d = setup_inputs()
    print(jax.jit(kernel)(*tuple(_d.values())))

</pallas_src>

<mosaic_0001>
#map = affine_map<(d0, d1) -> (0)>
module attributes {stable_mosaic.version = 14 : i64} {
  func.func @_emb_kernel(%arg0: i32, %arg1: i32, %arg2: memref<41600000xf32, #tpu.memory_space<hbm>>, %arg3: memref<425984xi32, #tpu.memory_space<hbm>>, %arg4: memref<212992xf32, #tpu.memory_space<hbm>>, %arg5: memref<7077888xf32, #tpu.memory_space<hbm>>, %arg6: memref<2x16384xi32, #tpu.memory_space<vmem>>, %arg7: memref<2x16384xf32, #tpu.memory_space<vmem>>, %arg8: memref<16384xf32, #tpu.memory_space<vmem>>, %arg9: memref<!tpu.dma_semaphore, #tpu.memory_space<semaphore_mem>>, %arg10: memref<!tpu.dma_semaphore, #tpu.memory_space<semaphore_mem>>) attributes {dimension_semantics = [#tpu.dimension_semantics<core_parallel>, #tpu.dimension_semantics<subcore_parallel>], iteration_bounds = array<i64: 2, 16>, scalar_prefetch = 0 : i64, scratch_operands = 5 : i64, tpu.core_type = #tpu.core_type<sc_vector_subcore>, window_params = [{transform_indices = #map}, {transform_indices = #map}, {transform_indices = #map}, {transform_indices = #map}]} {
    %mul3A = arith.constant 2 : i32
    %mul3A_0 = arith.muli %arg1, %mul3A : i32
    %add3A = arith.addi %mul3A_0, %arg0 : i32
    %mul3A_1 = arith.constant 13 : i32
    %mul3A_2 = arith.muli %add3A, %mul3A_1 : i32
    %add3A_3 = arith.constant 0 : i32
    %add3A_4 = arith.addi %mul3A_2, %add3A_3 : i32
    %div3A = arith.constant 16 : i32
    %div3A_5 = arith.divsi %add3A_4, %div3A : i32
    %mul3A_6 = arith.constant 16384 : i32
    %mul3A_7 = arith.muli %div3A_5, %mul3A_6 : i32
    %run_scoped3A = arith.constant 0 : i32
    "tpu.region"() ({
      %run_scoped3A_62 = tpu.sem_alloc : memref<!tpu.dma_semaphore, #tpu.memory_space<semaphore_mem>>
      %dma_start3A = arith.constant 0 : i32
      %dma_start3A_63 = tpu.memref_slice %arg6[%run_scoped3A, %dma_start3A] : memref<2x16384xi32, #tpu.memory_space<vmem>> -> memref<1x16384xi32, #tpu.memory_space<vmem>>
      %dma_start3A_64 = tpu.memref_squeeze %dma_start3A_63 : memref<1x16384xi32, #tpu.memory_space<vmem>> -> memref<16384xi32, #tpu.memory_space<vmem>>
      %dma_start3A_65 = tpu.memref_slice %arg3[%mul3A_7] : memref<425984xi32, #tpu.memory_space<hbm>> -> memref<16384xi32, #tpu.memory_space<hbm>>
      %dma_start3A_66 = arith.constant 0 : i32
      %dma_start3A_67 = tpu.memref_slice %arg6[%run_scoped3A, %dma_start3A_66] : memref<2x16384xi32, #tpu.memory_space<vmem>> -> memref<1x16384xi32, #tpu.memory_space<vmem>>
      %dma_start3A_68 = tpu.memref_squeeze %dma_start3A_67 : memref<1x16384xi32, #tpu.memory_space<vmem>> -> memref<16384xi32, #tpu.memory_space<vmem>>
      %dma_start3A_69 = tpu.memref_slice %arg3[%mul3A_7] : memref<425984xi32, #tpu.memory_space<hbm>> -> memref<16384xi32, #tpu.memory_space<hbm>>
      tpu.enqueue_dma source(%dma_start3A_69 : memref<16384xi32, #tpu.memory_space<hbm>>) target(%dma_start3A_68 : memref<16384xi32, #tpu.memory_space<vmem>>) target_semaphore(%run_scoped3A_62 : memref<!tpu.dma_semaphore, #tpu.memory_space<semaphore_mem>>)
      %dma_wait3A_70 = arith.constant 0 : i32
      %dma_wait3A_71 = tpu.memref_slice %arg6[%run_scoped3A, %dma_wait3A_70] : memref<2x16384xi32, #tpu.memory_space<vmem>> -> memref<1x16384xi32, #tpu.memory_space<vmem>>
      %dma_wait3A_72 = tpu.memref_squeeze %dma_wait3A_71 : memref<1x16384xi32, #tpu.memory_space<vmem>> -> memref<16384xi32, #tpu.memory_space<vmem>>
      %dma_wait3A_73 = tpu.memref_slice %arg3[%mul3A_7] : memref<425984xi32, #tpu.memory_space<hbm>> -> memref<16384xi32, #tpu.memory_space<hbm>>
      %dma_wait3A_74 = arith.constant 0 : i32
      %dma_wait3A_75 = tpu.memref_slice %arg6[%run_scoped3A, %dma_wait3A_74] : memref<2x16384xi32, #tpu.memory_space<vmem>> -> memref<1x16384xi32, #tpu.memory_space<vmem>>
      %dma_wait3A_76 = tpu.memref_squeeze %dma_wait3A_75 : memref<1x16384xi32, #tpu.memory_space<vmem>> -> memref<16384xi32, #tpu.memory_space<vmem>>
      %dma_wait3A_77 = tpu.memref_slice %arg3[%mul3A_7] : memref<425984xi32, #tpu.memory_space<hbm>> -> memref<16384xi32, #tpu.memory_space<hbm>>
      tpu.wait_dma2 semaphore(%run_scoped3A_62 : memref<!tpu.dma_semaphore, #tpu.memory_space<semaphore_mem>>) src(%dma_wait3A_77 : memref<16384xi32, #tpu.memory_space<hbm>>) dst(%dma_wait3A_76 : memref<16384xi32, #tpu.memory_space<vmem>>)
      tpu.yield
    }) : () -> ()
    %mul3A_8 = arith.constant 100000 : i32
    %mul3A_9 = arith.muli %add3A_4, %mul3A_8 : i32
    %scan3A = arith.constant 0 : i32
    %scan3A_10 = arith.constant 0 : i32
    %scan3A_11 = arith.constant 1024 : i32
    %scan3A_12 = arith.addi %scan3A_10, %scan3A_11 : i32
    %scan3A_13 = arith.constant 1 : i32
    scf.for %scan3A_62 = %scan3A_10 to %scan3A_12 step %scan3A_13  : i32 {
      %mul3A_63 = arith.constant 16 : i32
      %mul3A_64 = arith.muli %scan3A_62, %mul3A_63 : i32
      %get3A = arith.constant 0 : i32
      %get3A_65 = arith.index_cast %get3A : i32 to index
      %get3A_66 = arith.index_cast %mul3A_64 : i32 to index
      %get3A_67 = tpu.vector_load %arg6[%get3A_65, %get3A_66] {strides = array<i32>} : memref<2x16384xi32, #tpu.memory_space<vmem>>, vector<1x16xi32>,
      %get3A_68 = vector.shape_cast %get3A_67 : vector<1x16xi32> to vector<16xi32>
      %add3A_69 = vector.broadcast %mul3A_9 : i32 to vector<16xi32>
      %add3A_70 = arith.addi %get3A_68, %add3A_69 : vector<16xi32>
      %mul3A_71 = arith.constant 16 : i32
      %mul3A_72 = arith.muli %scan3A_62, %mul3A_71 : i32
      %swap3A = arith.constant 0 : i32
      %swap3A_73 = arith.index_cast %swap3A : i32 to index
      %swap3A_74 = arith.index_cast %mul3A_72 : i32 to index
      %swap3A_75 = tpu.vector_load %arg6[%swap3A_73, %swap3A_74] {strides = array<i32>} : memref<2x16384xi32, #tpu.memory_space<vmem>>, vector<1x16xi32>,
      %swap3A_76 = vector.shape_cast %swap3A_75 : vector<1x16xi32> to vector<16xi32>
      %swap3A_77 = vector.shape_cast %add3A_70 : vector<16xi32> to vector<1x16xi32>
      tpu.vector_store %arg6[%swap3A_73, %swap3A_74], %swap3A_77 {strides = array<i32>} : memref<2x16384xi32, #tpu.memory_space<vmem>>, vector<1x16xi32>,
    }
    %scan3A_14 = arith.constant 1024 : i32
    %scan3A_15 = arith.constant 0 : i32
    %scan3A_16 = arith.constant 0 : i32
    %scan3A_17 = arith.constant 128 : i32
    %scan3A_18 = arith.addi %scan3A_16, %scan3A_17 : i32
    %scan3A_19 = arith.constant 1 : i32
    scf.for %scan3A_62 = %scan3A_16 to %scan3A_18 step %scan3A_19  : i32 {
      %mul3A_63 = arith.constant 128 : i32
      %mul3A_64 = arith.muli %scan3A_62, %mul3A_63 : i32
      %mul3A_65 = arith.constant 128 : i32
      %mul3A_66 = arith.muli %scan3A_62, %mul3A_65 : i32
      %dma_start3A = arith.constant 0 : i32
      %dma_start3A_67 = arith.constant 0 : i32
      %dma_start3A_68 = tpu.memref_slice %arg7[%dma_start3A_67, %mul3A_66] : memref<2x16384xf32, #tpu.memory_space<vmem>> -> memref<1x128xf32, #tpu.memory_space<vmem>>
      %dma_start3A_69 = tpu.memref_squeeze %dma_start3A_68 : memref<1x128xf32, #tpu.memory_space<vmem>> -> memref<128xf32, #tpu.memory_space<vmem>>
      %dma_start3A_70 = tpu.memref_slice %arg6[%dma_start3A, %mul3A_64] : memref<2x16384xi32, #tpu.memory_space<vmem>> -> memref<1x128xi32, #tpu.memory_space<vmem>>
      %dma_start3A_71 = tpu.memref_squeeze %dma_start3A_70 : memref<1x128xi32, #tpu.memory_space<vmem>> -> memref<128xi32, #tpu.memory_space<vmem>>
      %dma_start3A_72 = arith.constant 0 : i32
      %dma_start3A_73 = tpu.memref_slice %arg2[%dma_start3A_72] : memref<41600000xf32, #tpu.memory_space<hbm>> -> memref<41600000xf32, #tpu.memory_space<hbm>>
      tpu.enqueue_indirect_dma source(%dma_start3A_73 : memref<41600000xf32, #tpu.memory_space<hbm>>) target(%dma_start3A_69 : memref<128xf32, #tpu.memory_space<vmem>>) offsets(%dma_start3A_71 : memref<128xi32, #tpu.memory_space<vmem>>) semaphore(%arg9 : memref<!tpu.dma_semaphore, #tpu.memory_space<semaphore_mem>>)
    }
    %scan3A_20 = arith.constant 128 : i32
    %scan3A_21 = arith.constant 0 : i32
    %scan3A_22 = arith.constant 0 : i32
    %scan3A_23 = arith.constant 13 : i32
    %scan3A_24 = arith.addi %scan3A_22, %scan3A_23 : i32
    %scan3A_25 = arith.constant 1 : i32
    scf.for %scan3A_62 = %scan3A_22 to %scan3A_24 step %scan3A_25  : i32 {
      %add3A_63 = arith.constant 1 : i32
      %add3A_64 = arith.addi %scan3A_62, %add3A_63 : i32
      %lt3A_65 = arith.constant 13 : i32
      %lt3A_66 = arith.cmpi slt, %add3A_64, %lt3A_65 : i32
      %convert_element_type3A_67 = arith.extui %lt3A_66 : i1 to i32
      %cond3A_68 = arith.constant 0 : i32
      %cond3A_69 = arith.cmpi ne, %convert_element_type3A_67, %cond3A_68 : i32
      scf.if %cond3A_69 {
        %add3A_100 = arith.constant 1 : i32
        %add3A_101 = arith.addi %scan3A_62, %add3A_100 : i32
        %mul3A_102 = arith.constant 13 : i32
        %mul3A_103 = arith.muli %add3A, %mul3A_102 : i32
        %add3A_104 = arith.addi %mul3A_103, %add3A_101 : i32
        %div3A_105 = arith.constant 16 : i32
        %div3A_106 = arith.divsi %add3A_104, %div3A_105 : i32
        %mul3A_107 = arith.constant 16384 : i32
        %mul3A_108 = arith.muli %div3A_106, %mul3A_107 : i32
        %jit3A_109 = arith.constant 2 : i32
        %eq3A_110 = arith.constant 0 : i32
        %eq3A_111 = arith.cmpi eq, %jit3A_109, %eq3A_110 : i32
        %jit3A_112 = arith.constant 1 : i32
        %select_n3A_113 = arith.select %eq3A_111, %jit3A_112, %jit3A_109 : i32
        %rem3A_114 = arith.remsi %add3A_101, %select_n3A_113 : i32
        %ne3A_115 = arith.constant 0 : i32
        %ne3A_116 = arith.cmpi ne, %rem3A_114, %ne3A_115 : i32
        %lt3A_117 = arith.constant 0 : i32
        %lt3A_118 = arith.cmpi slt, %rem3A_114, %lt3A_117 : i32
        %lt3A_119 = arith.constant 0 : i32
        %lt3A_120 = arith.cmpi slt, %select_n3A_113, %lt3A_119 : i32
        %ne3A_121 = arith.xori %lt3A_118, %lt3A_120 : i1
        %and3A_122 = arith.andi %ne3A_121, %ne3A_116 : i1
        %add3A_123 = arith.addi %rem3A_114, %select_n3A_113 : i32
        %select_n3A_124 = arith.select %and3A_122, %add3A_123, %rem3A_114 : i32
        "tpu.region"() ({
          %run_scoped3A_145 = tpu.sem_alloc : memref<!tpu.dma_semaphore, #tpu.memory_space<semaphore_mem>>
          %dma_start3A_146 = arith.constant 0 : i32
          %dma_start3A_147 = tpu.memref_slice %arg6[%select_n3A_124, %dma_start3A_146] : memref<2x16384xi32, #tpu.memory_space<vmem>> -> memref<1x16384xi32, #tpu.memory_space<vmem>>
          %dma_start3A_148 = tpu.memref_squeeze %dma_start3A_147 : memref<1x16384xi32, #tpu.memory_space<vmem>> -> memref<16384xi32, #tpu.memory_space<vmem>>
          %dma_start3A_149 = tpu.memref_slice %arg3[%mul3A_108] : memref<425984xi32, #tpu.memory_space<hbm>> -> memref<16384xi32, #tpu.memory_space<hbm>>
          %dma_start3A_150 = arith.constant 0 : i32
          %dma_start3A_151 = tpu.memref_slice %arg6[%select_n3A_124, %dma_start3A_150] : memref<2x16384xi32, #tpu.memory_space<vmem>> -> memref<1x16384xi32, #tpu.memory_space<vmem>>
          %dma_start3A_152 = tpu.memref_squeeze %dma_start3A_151 : memref<1x16384xi32, #tpu.memory_space<vmem>> -> memref<16384xi32, #tpu.memory_space<vmem>>
          %dma_start3A_153 = tpu.memref_slice %arg3[%mul3A_108] : memref<425984xi32, #tpu.memory_space<hbm>> -> memref<16384xi32, #tpu.memory_space<hbm>>
          tpu.enqueue_dma source(%dma_start3A_153 : memref<16384xi32, #tpu.memory_space<hbm>>) target(%dma_start3A_152 : memref<16384xi32, #tpu.memory_space<vmem>>) target_semaphore(%run_scoped3A_145 : memref<!tpu.dma_semaphore, #tpu.memory_space<semaphore_mem>>)
          %dma_wait3A_154 = arith.constant 0 : i32
          %dma_wait3A_155 = tpu.memref_slice %arg6[%select_n3A_124, %dma_wait3A_154] : memref<2x16384xi32, #tpu.memory_space<vmem>> -> memref<1x16384xi32, #tpu.memory_space<vmem>>
          %dma_wait3A_156 = tpu.memref_squeeze %dma_wait3A_155 : memref<1x16384xi32, #tpu.memory_space<vmem>> -> memref<16384xi32, #tpu.memory_space<vmem>>
          %dma_wait3A_157 = tpu.memref_slice %arg3[%mul3A_108] : memref<425984xi32, #tpu.memory_space<hbm>> -> memref<16384xi32, #tpu.memory_space<hbm>>
          %dma_wait3A_158 = arith.constant 0 : i32
          %dma_wait3A_159 = tpu.memref_slice %arg6[%select_n3A_124, %dma_wait3A_158] : memref<2x16384xi32, #tpu.memory_space<vmem>> -> memref<1x16384xi32, #tpu.memory_space<vmem>>
          %dma_wait3A_160 = tpu.memref_squeeze %dma_wait3A_159 : memref<1x16384xi32, #tpu.memory_space<vmem>> -> memref<16384xi32, #tpu.memory_space<vmem>>
          %dma_wait3A_161 = tpu.memref_slice %arg3[%mul3A_108] : memref<425984xi32, #tpu.memory_space<hbm>> -> memref<16384xi32, #tpu.memory_space<hbm>>
          tpu.wait_dma2 semaphore(%run_scoped3A_145 : memref<!tpu.dma_semaphore, #tpu.memory_space<semaphore_mem>>) src(%dma_wait3A_161 : memref<16384xi32, #tpu.memory_space<hbm>>) dst(%dma_wait3A_160 : memref<16384xi32, #tpu.memory_space<vmem>>)
          tpu.yield
        }) : () -> ()
        %mul3A_125 = arith.constant 100000 : i32
        %mul3A_126 = arith.muli %add3A_104, %mul3A_125 : i32
        %scan3A_127 = arith.constant 0 : i32
        %scan3A_128 = arith.constant 0 : i32
        %scan3A_129 = arith.constant 1024 : i32
        %scan3A_130 = arith.addi %scan3A_128, %scan3A_129 : i32
        %scan3A_131 = arith.constant 1 : i32
        scf.for %scan3A_145 = %scan3A_128 to %scan3A_130 step %scan3A_131  : i32 {
          %jit3A_146 = arith.constant 2 : i32
          %eq3A_147 = arith.constant 0 : i32
          %eq3A_148 = arith.cmpi eq, %jit3A_146, %eq3A_147 : i32
          %jit3A_149 = arith.constant 1 : i32
          %select_n3A_150 = arith.select %eq3A_148, %jit3A_149, %jit3A_146 : i32
          %rem3A_151 = arith.remsi %add3A_101, %select_n3A_150 : i32
          %ne3A_152 = arith.constant 0 : i32
          %ne3A_153 = arith.cmpi ne, %rem3A_151, %ne3A_152 : i32
          %lt3A_154 = arith.constant 0 : i32
          %lt3A_155 = arith.cmpi slt, %rem3A_151, %lt3A_154 : i32
          %lt3A_156 = arith.constant 0 : i32
          %lt3A_157 = arith.cmpi slt, %select_n3A_150, %lt3A_156 : i32
          %ne3A_158 = arith.xori %lt3A_155, %lt3A_157 : i1
          %and3A_159 = arith.andi %ne3A_158, %ne3A_153 : i1
          %add3A_160 = arith.addi %rem3A_151, %select_n3A_150 : i32
          %select_n3A_161 = arith.select %and3A_159, %add3A_160, %rem3A_151 : i32
          %mul3A_162 = arith.constant 16 : i32
          %mul3A_163 = arith.muli %scan3A_145, %mul3A_162 : i32
          %get3A = arith.index_cast %select_n3A_161 : i32 to index
          %get3A_164 = arith.index_cast %mul3A_163 : i32 to index
          %get3A_165 = tpu.vector_load %arg6[%get3A, %get3A_164] {strides = array<i32>} : memref<2x16384xi32, #tpu.memory_space<vmem>>, vector<1x16xi32>,
          %get3A_166 = vector.shape_cast %get3A_165 : vector<1x16xi32> to vector<16xi32>
          %add3A_167 = vector.broadcast %mul3A_126 : i32 to vector<16xi32>
          %add3A_168 = arith.addi %get3A_166, %add3A_167 : vector<16xi32>
          %jit3A_169 = arith.constant 2 : i32
          %eq3A_170 = arith.constant 0 : i32
          %eq3A_171 = arith.cmpi eq, %jit3A_169, %eq3A_170 : i32
          %jit3A_172 = arith.constant 1 : i32
          %select_n3A_173 = arith.select %eq3A_171, %jit3A_172, %jit3A_169 : i32
          %rem3A_174 = arith.remsi %add3A_101, %select_n3A_173 : i32
          %ne3A_175 = arith.constant 0 : i32
          %ne3A_176 = arith.cmpi ne, %rem3A_174, %ne3A_175 : i32
          %lt3A_177 = arith.constant 0 : i32
          %lt3A_178 = arith.cmpi slt, %rem3A_174, %lt3A_177 : i32
          %lt3A_179 = arith.constant 0 : i32
          %lt3A_180 = arith.cmpi slt, %select_n3A_173, %lt3A_179 : i32
          %ne3A_181 = arith.xori %lt3A_178, %lt3A_180 : i1
          %and3A_182 = arith.andi %ne3A_181, %ne3A_176 : i1
          %add3A_183 = arith.addi %rem3A_174, %select_n3A_173 : i32
          %select_n3A_184 = arith.select %and3A_182, %add3A_183, %rem3A_174 : i32
          %mul3A_185 = arith.constant 16 : i32
          %mul3A_186 = arith.muli %scan3A_145, %mul3A_185 : i32
          %swap3A = arith.index_cast %select_n3A_184 : i32 to index
          %swap3A_187 = arith.index_cast %mul3A_186 : i32 to index
          %swap3A_188 = tpu.vector_load %arg6[%swap3A, %swap3A_187] {strides = array<i32>} : memref<2x16384xi32, #tpu.memory_space<vmem>>, vector<1x16xi32>,
          %swap3A_189 = vector.shape_cast %swap3A_188 : vector<1x16xi32> to vector<16xi32>
          %swap3A_190 = vector.shape_cast %add3A_168 : vector<16xi32> to vector<1x16xi32>
          tpu.vector_store %arg6[%swap3A, %swap3A_187], %swap3A_190 {strides = array<i32>} : memref<2x16384xi32, #tpu.memory_space<vmem>>, vector<1x16xi32>,
        }
        %scan3A_132 = arith.constant 1024 : i32
        %ge3A = arith.constant 1 : i32
        %ge3A_133 = arith.cmpi sge, %scan3A_62, %ge3A : i32
        %convert_element_type3A_134 = arith.extui %ge3A_133 : i1 to i32
        %cond3A_135 = arith.constant 0 : i32
        %cond3A_136 = arith.cmpi ne, %convert_element_type3A_134, %cond3A_135 : i32
        scf.if %cond3A_136 {
          %sub3A = arith.constant 1 : i32
          %sub3A_145 = arith.subi %scan3A_62, %sub3A : i32
          %mul3A_146 = arith.constant 13 : i32
          %mul3A_147 = arith.muli %add3A, %mul3A_146 : i32
          %add3A_148 = arith.addi %mul3A_147, %sub3A_145 : i32
          %jit3A_149 = arith.constant 2 : i32
          %eq3A_150 = arith.constant 0 : i32
          %eq3A_151 = arith.cmpi eq, %jit3A_149, %eq3A_150 : i32
          %jit3A_152 = arith.constant 1 : i32
          %select_n3A_153 = arith.select %eq3A_151, %jit3A_152, %jit3A_149 : i32
          %rem3A_154 = arith.remsi %sub3A_145, %select_n3A_153 : i32
          %ne3A_155 = arith.constant 0 : i32
          %ne3A_156 = arith.cmpi ne, %rem3A_154, %ne3A_155 : i32
          %lt3A_157 = arith.constant 0 : i32
          %lt3A_158 = arith.cmpi slt, %rem3A_154, %lt3A_157 : i32
          %lt3A_159 = arith.constant 0 : i32
          %lt3A_160 = arith.cmpi slt, %select_n3A_153, %lt3A_159 : i32
          %ne3A_161 = arith.xori %lt3A_158, %lt3A_160 : i1
          %and3A_162 = arith.andi %ne3A_161, %ne3A_156 : i1
          %add3A_163 = arith.addi %rem3A_154, %select_n3A_153 : i32
          %select_n3A_164 = arith.select %and3A_162, %add3A_163, %rem3A_154 : i32
          %add3A_165 = arith.constant 13 : i32
          %add3A_166 = arith.addi %add3A_165, %add3A_148 : i32
          %mul3A_167 = arith.constant 16384 : i32
          %mul3A_168 = arith.muli %add3A_166, %mul3A_167 : i32
          %dma_wait3A_169 = arith.constant 0 : i32
          %dma_wait3A_170 = tpu.memref_slice %arg7[%select_n3A_164, %dma_wait3A_169] : memref<2x16384xf32, #tpu.memory_space<vmem>> -> memref<1x16384xf32, #tpu.memory_space<vmem>>
          %dma_wait3A_171 = tpu.memref_squeeze %dma_wait3A_170 : memref<1x16384xf32, #tpu.memory_space<vmem>> -> memref<16384xf32, #tpu.memory_space<vmem>>
          %dma_wait3A_172 = tpu.memref_slice %arg5[%mul3A_168] : memref<7077888xf32, #tpu.memory_space<hbm>> -> memref<16384xf32, #tpu.memory_space<hbm>>
          %dma_wait3A_173 = tpu.memref_slice %arg5[%mul3A_168] : memref<7077888xf32, #tpu.memory_space<hbm>> -> memref<16384xf32, #tpu.memory_space<hbm>>
          %dma_wait3A_174 = arith.constant 0 : i32
          %dma_wait3A_175 = tpu.memref_slice %arg7[%select_n3A_164, %dma_wait3A_174] : memref<2x16384xf32, #tpu.memory_space<vmem>> -> memref<1x16384xf32, #tpu.memory_space<vmem>>
          %dma_wait3A_176 = tpu.memref_squeeze %dma_wait3A_175 : memref<1x16384xf32, #tpu.memory_space<vmem>> -> memref<16384xf32, #tpu.memory_space<vmem>>
          tpu.wait_dma2 semaphore(%arg10 : memref<!tpu.dma_semaphore, #tpu.memory_space<semaphore_mem>>) src(%dma_wait3A_176 : memref<16384xf32, #tpu.memory_space<vmem>>) dst(%dma_wait3A_173 : memref<16384xf32, #tpu.memory_space<hbm>>)
        } else {
        }
        %add3A_137 = arith.constant 1 : i32
        %add3A_138 = arith.addi %scan3A_62, %add3A_137 : i32
        %scan3A_139 = arith.constant 0 : i32
        %scan3A_140 = arith.constant 0 : i32
        %scan3A_141 = arith.constant 128 : i32
        %scan3A_142 = arith.addi %scan3A_140, %scan3A_141 : i32
        %scan3A_143 = arith.constant 1 : i32
        scf.for %scan3A_145 = %scan3A_140 to %scan3A_142 step %scan3A_143  : i32 {
          %jit3A_146 = arith.constant 2 : i32
          %eq3A_147 = arith.constant 0 : i32
          %eq3A_148 = arith.cmpi eq, %jit3A_146, %eq3A_147 : i32
          %jit3A_149 = arith.constant 1 : i32
          %select_n3A_150 = arith.select %eq3A_148, %jit3A_149, %jit3A_146 : i32
          %rem3A_151 = arith.remsi %add3A_138, %select_n3A_150 : i32
          %ne3A_152 = arith.constant 0 : i32
          %ne3A_153 = arith.cmpi ne, %rem3A_151, %ne3A_152 : i32
          %lt3A_154 = arith.constant 0 : i32
          %lt3A_155 = arith.cmpi slt, %rem3A_151, %lt3A_154 : i32
          %lt3A_156 = arith.constant 0 : i32
          %lt3A_157 = arith.cmpi slt, %select_n3A_150, %lt3A_156 : i32
          %ne3A_158 = arith.xori %lt3A_155, %lt3A_157 : i1
          %and3A_159 = arith.andi %ne3A_158, %ne3A_153 : i1
          %add3A_160 = arith.addi %rem3A_151, %select_n3A_150 : i32
          %select_n3A_161 = arith.select %and3A_159, %add3A_160, %rem3A_151 : i32
          %mul3A_162 = arith.constant 128 : i32
          %mul3A_163 = arith.muli %scan3A_145, %mul3A_162 : i32
          %jit3A_164 = arith.constant 2 : i32
          %eq3A_165 = arith.constant 0 : i32
          %eq3A_166 = arith.cmpi eq, %jit3A_164, %eq3A_165 : i32
          %jit3A_167 = arith.constant 1 : i32
          %select_n3A_168 = arith.select %eq3A_166, %jit3A_167, %jit3A_164 : i32
          %rem3A_169 = arith.remsi %add3A_138, %select_n3A_168 : i32
          %ne3A_170 = arith.constant 0 : i32
          %ne3A_171 = arith.cmpi ne, %rem3A_169, %ne3A_170 : i32
          %lt3A_172 = arith.constant 0 : i32
          %lt3A_173 = arith.cmpi slt, %rem3A_169, %lt3A_172 : i32
          %lt3A_174 = arith.constant 0 : i32
          %lt3A_175 = arith.cmpi slt, %select_n3A_168, %lt3A_174 : i32
          %ne3A_176 = arith.xori %lt3A_173, %lt3A_175 : i1
          %and3A_177 = arith.andi %ne3A_176, %ne3A_171 : i1
          %add3A_178 = arith.addi %rem3A_169, %select_n3A_168 : i32
          %select_n3A_179 = arith.select %and3A_177, %add3A_178, %rem3A_169 : i32
          %mul3A_180 = arith.constant 128 : i32
          %mul3A_181 = arith.muli %scan3A_145, %mul3A_180 : i32
          %dma_start3A_182 = tpu.memref_slice %arg7[%select_n3A_179, %mul3A_181] : memref<2x16384xf32, #tpu.memory_space<vmem>> -> memref<1x128xf32, #tpu.memory_space<vmem>>
          %dma_start3A_183 = tpu.memref_squeeze %dma_start3A_182 : memref<1x128xf32, #tpu.memory_space<vmem>> -> memref<128xf32, #tpu.memory_space<vmem>>
          %dma_start3A_184 = tpu.memref_slice %arg6[%select_n3A_161, %mul3A_163] : memref<2x16384xi32, #tpu.memory_space<vmem>> -> memref<1x128xi32, #tpu.memory_space<vmem>>
          %dma_start3A_185 = tpu.memref_squeeze %dma_start3A_184 : memref<1x128xi32, #tpu.memory_space<vmem>> -> memref<128xi32, #tpu.memory_space<vmem>>
          %dma_start3A_186 = arith.constant 0 : i32
          %dma_start3A_187 = tpu.memref_slice %arg2[%dma_start3A_186] : memref<41600000xf32, #tpu.memory_space<hbm>> -> memref<41600000xf32, #tpu.memory_space<hbm>>
          tpu.enqueue_indirect_dma source(%dma_start3A_187 : memref<41600000xf32, #tpu.memory_space<hbm>>) target(%dma_start3A_183 : memref<128xf32, #tpu.memory_space<vmem>>) offsets(%dma_start3A_185 : memref<128xi32, #tpu.memory_space<vmem>>) semaphore(%arg9 : memref<!tpu.dma_semaphore, #tpu.memory_space<semaphore_mem>>)
        }
        %scan3A_144 = arith.constant 128 : i32
      } else {
      }
      %scan3A_70 = arith.constant 0 : i32
      %scan3A_71 = arith.constant 0 : i32
      %scan3A_72 = arith.constant 128 : i32
      %scan3A_73 = arith.addi %scan3A_71, %scan3A_72 : i32
      %scan3A_74 = arith.constant 1 : i32
      scf.for %scan3A_100 = %scan3A_71 to %scan3A_73 step %scan3A_74  : i32 {
        %jit3A_101 = arith.constant 2 : i32
        %eq3A_102 = arith.constant 0 : i32
        %eq3A_103 = arith.cmpi eq, %jit3A_101, %eq3A_102 : i32
        %jit3A_104 = arith.constant 1 : i32
        %select_n3A_105 = arith.select %eq3A_103, %jit3A_104, %jit3A_101 : i32
        %rem3A_106 = arith.remsi %scan3A_62, %select_n3A_105 : i32
        %ne3A_107 = arith.constant 0 : i32
        %ne3A_108 = arith.cmpi ne, %rem3A_106, %ne3A_107 : i32
        %lt3A_109 = arith.constant 0 : i32
        %lt3A_110 = arith.cmpi slt, %rem3A_106, %lt3A_109 : i32
        %lt3A_111 = arith.constant 0 : i32
        %lt3A_112 = arith.cmpi slt, %select_n3A_105, %lt3A_111 : i32
        %ne3A_113 = arith.xori %lt3A_110, %lt3A_112 : i1
        %and3A_114 = arith.andi %ne3A_113, %ne3A_108 : i1
        %add3A_115 = arith.addi %rem3A_106, %select_n3A_105 : i32
        %select_n3A_116 = arith.select %and3A_114, %add3A_115, %rem3A_106 : i32
        %mul3A_117 = arith.constant 128 : i32
        %mul3A_118 = arith.muli %scan3A_100, %mul3A_117 : i32
        %jit3A_119 = arith.constant 2 : i32
        %eq3A_120 = arith.constant 0 : i32
        %eq3A_121 = arith.cmpi eq, %jit3A_119, %eq3A_120 : i32
        %jit3A_122 = arith.constant 1 : i32
        %select_n3A_123 = arith.select %eq3A_121, %jit3A_122, %jit3A_119 : i32
        %rem3A_124 = arith.remsi %scan3A_62, %select_n3A_123 : i32
        %ne3A_125 = arith.constant 0 : i32
        %ne3A_126 = arith.cmpi ne, %rem3A_124, %ne3A_125 : i32
        %lt3A_127 = arith.constant 0 : i32
        %lt3A_128 = arith.cmpi slt, %rem3A_124, %lt3A_127 : i32
        %lt3A_129 = arith.constant 0 : i32
        %lt3A_130 = arith.cmpi slt, %select_n3A_123, %lt3A_129 : i32
        %ne3A_131 = arith.xori %lt3A_128, %lt3A_130 : i1
        %and3A_132 = arith.andi %ne3A_131, %ne3A_126 : i1
        %add3A_133 = arith.addi %rem3A_124, %select_n3A_123 : i32
        %select_n3A_134 = arith.select %and3A_132, %add3A_133, %rem3A_124 : i32
        %mul3A_135 = arith.constant 128 : i32
        %mul3A_136 = arith.muli %scan3A_100, %mul3A_135 : i32
        %dma_wait3A_137 = tpu.memref_slice %arg7[%select_n3A_134, %mul3A_136] : memref<2x16384xf32, #tpu.memory_space<vmem>> -> memref<1x128xf32, #tpu.memory_space<vmem>>
        %dma_wait3A_138 = tpu.memref_squeeze %dma_wait3A_137 : memref<1x128xf32, #tpu.memory_space<vmem>> -> memref<128xf32, #tpu.memory_space<vmem>>
        %dma_wait3A_139 = tpu.memref_slice %arg6[%select_n3A_116, %mul3A_118] : memref<2x16384xi32, #tpu.memory_space<vmem>> -> memref<1x128xi32, #tpu.memory_space<vmem>>
        %dma_wait3A_140 = tpu.memref_squeeze %dma_wait3A_139 : memref<1x128xi32, #tpu.memory_space<vmem>> -> memref<128xi32, #tpu.memory_space<vmem>>
        %dma_wait3A_141 = arith.constant 0 : i32
        %dma_wait3A_142 = tpu.memref_slice %arg2[%dma_wait3A_141] : memref<41600000xf32, #tpu.memory_space<hbm>> -> memref<41600000xf32, #tpu.memory_space<hbm>>
        tpu.wait_indirect_dma semaphore(%arg9 : memref<!tpu.dma_semaphore, #tpu.memory_space<semaphore_mem>>) src(%dma_wait3A_142 : memref<41600000xf32, #tpu.memory_space<hbm>>) dst(%dma_wait3A_138 : memref<128xf32, #tpu.memory_space<vmem>>)
      }
      %scan3A_75 = arith.constant 128 : i32
      %mul3A_76 = arith.constant 13 : i32
      %mul3A_77 = arith.muli %add3A, %mul3A_76 : i32
      %add3A_78 = arith.addi %mul3A_77, %scan3A_62 : i32
      %jit3A = arith.constant 2 : i32
      %eq3A = arith.constant 0 : i32
      %eq3A_79 = arith.cmpi eq, %jit3A, %eq3A : i32
      %jit3A_80 = arith.constant 1 : i32
      %select_n3A = arith.select %eq3A_79, %jit3A_80, %jit3A : i32
      %rem3A = arith.remsi %scan3A_62, %select_n3A : i32
      %ne3A = arith.constant 0 : i32
      %ne3A_81 = arith.cmpi ne, %rem3A, %ne3A : i32
      %lt3A_82 = arith.constant 0 : i32
      %lt3A_83 = arith.cmpi slt, %rem3A, %lt3A_82 : i32
      %lt3A_84 = arith.constant 0 : i32
      %lt3A_85 = arith.cmpi slt, %select_n3A, %lt3A_84 : i32
      %ne3A_86 = arith.xori %lt3A_83, %lt3A_85 : i1
      %and3A = arith.andi %ne3A_86, %ne3A_81 : i1
      %add3A_87 = arith.addi %rem3A, %select_n3A : i32
      %select_n3A_88 = arith.select %and3A, %add3A_87, %rem3A : i32
      %add3A_89 = arith.constant 13 : i32
      %add3A_90 = arith.addi %add3A_89, %add3A_78 : i32
      %mul3A_91 = arith.constant 16384 : i32
      %mul3A_92 = arith.muli %add3A_90, %mul3A_91 : i32
      %dma_start3A = arith.constant 0 : i32
      %dma_start3A_93 = tpu.memref_slice %arg7[%select_n3A_88, %dma_start3A] : memref<2x16384xf32, #tpu.memory_space<vmem>> -> memref<1x16384xf32, #tpu.memory_space<vmem>>
      %dma_start3A_94 = tpu.memref_squeeze %dma_start3A_93 : memref<1x16384xf32, #tpu.memory_space<vmem>> -> memref<16384xf32, #tpu.memory_space<vmem>>
      %dma_start3A_95 = tpu.memref_slice %arg5[%mul3A_92] : memref<7077888xf32, #tpu.memory_space<hbm>> -> memref<16384xf32, #tpu.memory_space<hbm>>
      %dma_start3A_96 = tpu.memref_slice %arg5[%mul3A_92] : memref<7077888xf32, #tpu.memory_space<hbm>> -> memref<16384xf32, #tpu.memory_space<hbm>>
      %dma_start3A_97 = arith.constant 0 : i32
      %dma_start3A_98 = tpu.memref_slice %arg7[%select_n3A_88, %dma_start3A_97] : memref<2x16384xf32, #tpu.memory_space<vmem>> -> memref<1x16384xf32, #tpu.memory_space<vmem>>
      %dma_start3A_99 = tpu.memref_squeeze %dma_start3A_98 : memref<1x16384xf32, #tpu.memory_space<vmem>> -> memref<16384xf32, #tpu.memory_space<vmem>>
      tpu.enqueue_dma source(%dma_start3A_99 : memref<16384xf32, #tpu.memory_space<vmem>>) target(%dma_start3A_96 : memref<16384xf32, #tpu.memory_space<hbm>>) target_semaphore(%arg10 : memref<!tpu.dma_semaphore, #tpu.memory_space<semaphore_mem>>)
    }
    %scan3A_26 = arith.constant 13 : i32
    %mul3A_27 = arith.constant 13 : i32
    %mul3A_28 = arith.muli %add3A, %mul3A_27 : i32
    %add3A_29 = arith.constant 11 : i32
    %add3A_30 = arith.addi %mul3A_28, %add3A_29 : i32
    %add3A_31 = arith.constant 13 : i32
    %add3A_32 = arith.addi %add3A_31, %add3A_30 : i32
    %mul3A_33 = arith.constant 16384 : i32
    %mul3A_34 = arith.muli %add3A_32, %mul3A_33 : i32
    %dma_wait3A = arith.constant 1 : i32
    %dma_wait3A_35 = arith.constant 0 : i32
    %dma_wait3A_36 = tpu.memref_slice %arg7[%dma_wait3A, %dma_wait3A_35] : memref<2x16384xf32, #tpu.memory_space<vmem>> -> memref<1x16384xf32, #tpu.memory_space<vmem>>
    %dma_wait3A_37 = tpu.memref_squeeze %dma_wait3A_36 : memref<1x16384xf32, #tpu.memory_space<vmem>> -> memref<16384xf32, #tpu.memory_space<vmem>>
    %dma_wait3A_38 = tpu.memref_slice %arg5[%mul3A_34] : memref<7077888xf32, #tpu.memory_space<hbm>> -> memref<16384xf32, #tpu.memory_space<hbm>>
    %dma_wait3A_39 = tpu.memref_slice %arg5[%mul3A_34] : memref<7077888xf32, #tpu.memory_space<hbm>> -> memref<16384xf32, #tpu.memory_space<hbm>>
    %dma_wait3A_40 = arith.constant 0 : i32
    %dma_wait3A_41 = tpu.memref_slice %arg7[%dma_wait3A, %dma_wait3A_40] : memref<2x16384xf32, #tpu.memory_space<vmem>> -> memref<1x16384xf32, #tpu.memory_space<vmem>>
    %dma_wait3A_42 = tpu.memref_squeeze %dma_wait3A_41 : memref<1x16384xf32, #tpu.memory_space<vmem>> -> memref<16384xf32, #tpu.memory_space<vmem>>
    tpu.wait_dma2 semaphore(%arg10 : memref<!tpu.dma_semaphore, #tpu.memory_space<semaphore_mem>>) src(%dma_wait3A_42 : memref<16384xf32, #tpu.memory_space<vmem>>) dst(%dma_wait3A_39 : memref<16384xf32, #tpu.memory_space<hbm>>)
    %mul3A_43 = arith.constant 13 : i32
    %mul3A_44 = arith.muli %add3A, %mul3A_43 : i32
    %add3A_45 = arith.constant 12 : i32
    %add3A_46 = arith.addi %mul3A_44, %add3A_45 : i32
    %add3A_47 = arith.constant 13 : i32
    %add3A_48 = arith.addi %add3A_47, %add3A_46 : i32
    %mul3A_49 = arith.constant 16384 : i32
    %mul3A_50 = arith.muli %add3A_48, %mul3A_49 : i32
    %dma_wait3A_51 = arith.constant 0 : i32
    %dma_wait3A_52 = arith.constant 0 : i32
    %dma_wait3A_53 = tpu.memref_slice %arg7[%dma_wait3A_51, %dma_wait3A_52] : memref<2x16384xf32, #tpu.memory_space<vmem>> -> memref<1x16384xf32, #tpu.memory_space<vmem>>
    %dma_wait3A_54 = tpu.memref_squeeze %dma_wait3A_53 : memref<1x16384xf32, #tpu.memory_space<vmem>> -> memref<16384xf32, #tpu.memory_space<vmem>>
    %dma_wait3A_55 = tpu.memref_slice %arg5[%mul3A_50] : memref<7077888xf32, #tpu.memory_space<hbm>> -> memref<16384xf32, #tpu.memory_space<hbm>>
    %dma_wait3A_56 = tpu.memref_slice %arg5[%mul3A_50] : memref<7077888xf32, #tpu.memory_space<hbm>> -> memref<16384xf32, #tpu.memory_space<hbm>>
    %dma_wait3A_57 = arith.constant 0 : i32
    %dma_wait3A_58 = tpu.memref_slice %arg7[%dma_wait3A_51, %dma_wait3A_57] : memref<2x16384xf32, #tpu.memory_space<vmem>> -> memref<1x16384xf32, #tpu.memory_space<vmem>>
    %dma_wait3A_59 = tpu.memref_squeeze %dma_wait3A_58 : memref<1x16384xf32, #tpu.memory_space<vmem>> -> memref<16384xf32, #tpu.memory_space<vmem>>
    tpu.wait_dma2 semaphore(%arg10 : memref<!tpu.dma_semaphore, #tpu.memory_space<semaphore_mem>>) src(%dma_wait3A_59 : memref<16384xf32, #tpu.memory_space<vmem>>) dst(%dma_wait3A_56 : memref<16384xf32, #tpu.memory_space<hbm>>)
    %lt3A = arith.constant 13 : i32
    %lt3A_60 = arith.cmpi slt, %add3A, %lt3A : i32
    %convert_element_type3A = arith.extui %lt3A_60 : i1 to i32
    %cond3A = arith.constant 0 : i32
    %cond3A_61 = arith.cmpi ne, %convert_element_type3A, %cond3A : i32
    scf.if %cond3A_61 {
      %mul3A_62 = arith.constant 16384 : i32
      %mul3A_63 = arith.muli %add3A, %mul3A_62 : i32
      "tpu.region"() ({
        %run_scoped3A_66 = tpu.sem_alloc : memref<!tpu.dma_semaphore, #tpu.memory_space<semaphore_mem>>
        %dma_start3A = tpu.memref_slice %arg4[%mul3A_63] : memref<212992xf32, #tpu.memory_space<hbm>> -> memref<16384xf32, #tpu.memory_space<hbm>>
        %dma_start3A_67 = tpu.memref_slice %arg4[%mul3A_63] : memref<212992xf32, #tpu.memory_space<hbm>> -> memref<16384xf32, #tpu.memory_space<hbm>>
        tpu.enqueue_dma source(%dma_start3A_67 : memref<16384xf32, #tpu.memory_space<hbm>>) target(%arg8 : memref<16384xf32, #tpu.memory_space<vmem>>) target_semaphore(%run_scoped3A_66 : memref<!tpu.dma_semaphore, #tpu.memory_space<semaphore_mem>>)
        %dma_wait3A_68 = tpu.memref_slice %arg4[%mul3A_63] : memref<212992xf32, #tpu.memory_space<hbm>> -> memref<16384xf32, #tpu.memory_space<hbm>>
        %dma_wait3A_69 = tpu.memref_slice %arg4[%mul3A_63] : memref<212992xf32, #tpu.memory_space<hbm>> -> memref<16384xf32, #tpu.memory_space<hbm>>
        tpu.wait_dma2 semaphore(%run_scoped3A_66 : memref<!tpu.dma_semaphore, #tpu.memory_space<semaphore_mem>>) src(%dma_wait3A_69 : memref<16384xf32, #tpu.memory_space<hbm>>) dst(%arg8 : memref<16384xf32, #tpu.memory_space<vmem>>)
        tpu.yield
      }) : () -> ()
      %mul3A_64 = arith.constant 16384 : i32
      %mul3A_65 = arith.muli %add3A, %mul3A_64 : i32
      "tpu.region"() ({
        %run_scoped3A_66 = tpu.sem_alloc : memref<!tpu.dma_semaphore, #tpu.memory_space<semaphore_mem>>
        %dma_start3A = tpu.memref_slice %arg5[%mul3A_65] : memref<7077888xf32, #tpu.memory_space<hbm>> -> memref<16384xf32, #tpu.memory_space<hbm>>
        %dma_start3A_67 = tpu.memref_slice %arg5[%mul3A_65] : memref<7077888xf32, #tpu.memory_space<hbm>> -> memref<16384xf32, #tpu.memory_space<hbm>>
        tpu.enqueue_dma source(%arg8 : memref<16384xf32, #tpu.memory_space<vmem>>) target(%dma_start3A_67 : memref<16384xf32, #tpu.memory_space<hbm>>) target_semaphore(%run_scoped3A_66 : memref<!tpu.dma_semaphore, #tpu.memory_space<semaphore_mem>>)
        %dma_wait3A_68 = tpu.memref_slice %arg5[%mul3A_65] : memref<7077888xf32, #tpu.memory_space<hbm>> -> memref<16384xf32, #tpu.memory_space<hbm>>
        %dma_wait3A_69 = tpu.memref_slice %arg5[%mul3A_65] : memref<7077888xf32, #tpu.memory_space<hbm>> -> memref<16384xf32, #tpu.memory_space<hbm>>
        tpu.wait_dma2 semaphore(%run_scoped3A_66 : memref<!tpu.dma_semaphore, #tpu.memory_space<semaphore_mem>>) src(%arg8 : memref<16384xf32, #tpu.memory_space<vmem>>) dst(%dma_wait3A_69 : memref<16384xf32, #tpu.memory_space<hbm>>)
        tpu.yield
      }) : () -> ()
    } else {
    }
    return
  }
}

</mosaic_0001>

<sc_bundles>
// kernel: kernel.3.cloned.1.call-start
scs
__scs_entry_jumppad:
0x0: {  	(pc) =	sbr.rel $0x88, $3  }
0x1: {  	(tag) =	ssettag $0x0;
	lr =	simm.s32 $0x1  }
0x2: {  	[smem:$0x3F9E] =	sst lr;
	_ =	strace $0xD0000000  }
0x3: {  	_ = 	snop  }
0x4: {  	_ = 	snop  }
0x5: {  	_ = 	snop  }
0x6: {  	_ = 	snop  }
0x7: {  	_ = 	snop  }
__scs_overlays_trampoline_lowered:
0x8: {  	[smem:$0x3FAD] =	sst s0  }
0x9: {  	[smem:$0x3FAE] =	sst s1  }
0xa: {  	[smem:$0x3FAF] =	sst s2  }
0xb: {  	[smem:$0x3FB0] =	sst s3  }
0xc: {  	[smem:$0x3FB1] =	sst s4  }
0xd: {  	[smem:$0x3FB2] =	sst s5  }
0xe: {  	[smem:$0x3FB3] =	sst s6  }
0xf: {  	[smem:$0x3FB4] =	sst s7  }
0x10: {  	[smem:$0x3FB5] =	sst s8  }
0x11: {  	[smem:$0x3FB6] =	sst s9;
	s0 =	simm.s32 @!p0 $0x0  }
0x12: {  	s1 =	sld [smem:$0x3F9C];
	s0 =	simm.s32 @p0 $0x1  }
0x13: {  	[smem:$0x3FB7] =	sst s0;
	s0 =	simm.s32 @!p1 $0x0  }
0x14: {  	s2 =	sld [smem:$0x3F9B];
	s0 =	simm.s32 @p1 $0x1  }
0x15: {  	[smem:$0x3FB8] =	sst s0;
	s0 =	simm.s32 @!p2 $0x0  }
0x16: {  	s3 =	sld [smem:$0x3FDB];
	s0 =	simm.s32 @p2 $0x1  }
0x17: {  	s4 =	simm.s32 $0x1BF5;
	[smem:$0x3FBA] =	sst s0  }
0x18: {  	s0 =	sld [smem:$0x3F9D];
	_ =	swait.ge [sflag:s4], $0x0  }
0x19: {  	s7 =	sld [smem:$0x3F9E]  }
0x1a: {  	s8 =	sadd.s32 $0xFFFFE003, lr  }
0x1b: {  	s9 =	sadd.s32 $0xFFFFFEF7, lr;
	s5 =	simm.s32 $0xFFFFFFFF;
	p2 =	slt.u32 s8, $0xFFFFF086  }
0x1c: {  	p1 =	slt.u32 s9, $0xF7A;
	s5 =	simm.s32 @!p2 $0x0  }
0x1d: {  	s5 =	simm.s32 @p1 $0x1;
	p0 =	seq.s32 s7, s2  }
0x1e: {  	s7 =	smul.u32 @!p0 $0xF7A, s2;
	p2 =	seq.s32 @!p0 s5, $0x0  }
0x1f: {  	s9 =	smul.u32 $0xF7A, s1;
	s8 =	simm.s32 @!p0 $0x1BF5;
	p2 =	por !p2, p0  }
0x20: {  	[sflag:s8] =	ssyncset.s32 @!p0 $0xFFFFF086;
	s6 =	sadd.s32 @!p0 s3, s7;
	s7 =	simm.s32 @!p0 $0x108  }
0x21: {  	s3 =	sadd.s32 s3, s9;
	s6 =	sadd.s32 @!p0 $0x88, s6;
	s7 =	simm.s32 @p2 $0x1082  }
0x22: {  	[simem:s7], [sflag:s8] =	dma.local @!p0 [hbm:s6], $0xF7A  }
0x23: {  	s9 =	sor.u32 $0xD0000000, s2;
	s6 =	simm.s32 $0x108;
	_ =	swait.ge @!p0 [sflag:s8], $0x0  }
0x24: {  	s3 =	sadd.s32 $0x88, s3;
	s6 =	simm.s32 @!p1 $0x1082;
	[sflag:s4] =	ssyncset.s32 $0xFFFFF086  }
0x25: {  	[simem:s6], [sflag:s4] =	dma.local [hbm:s3], $0xF7A  }
0x26: {  	[smem:$0x3F9E] =	sst s1;
	(tag) =	ssettag s2;
	_ =	strace s9  }
0x27: {  	s1 =	sld [smem:$0x3FAE]  }
0x28: {  	s2 =	sld [smem:$0x3FAF]  }
0x29: {  	s4 =	sld [smem:$0x3FB1]  }
0x2a: {  	p0 =	seq.s32 s5, $0x0;
	s5 =	sld [smem:$0x3FB2]  }
0x2b: {  	s6 =	sld [smem:$0x3FB3]  }
0x2c: {  	s7 =	sld [smem:$0x3FB4]  }
0x2d: {  	s3 =	simm.s32 $0x108;
	s8 =	sld [smem:$0x3FB5]  }
0x2e: {  	s3 =	simm.s32 @!p0 $0x1082;
	s9 =	sld [smem:$0x3FB6]  }
0x2f: {  	lr =	sadd.s32 s0, s3;
	s0 =	sld [smem:$0x3FAD]  }
0x30: {  	s3 =	sld [smem:$0x3FB0]  }
0x31: {  	[smem:$0x3FB9] =	sst s10  }
0x32: {  	s10 =	sld [smem:$0x3FB7];
	_ =	sdelay $0x3  }
0x33: {  	p0 =	seq.s32 s10, $0x1;
	s10 =	sld [smem:$0x3FB9];
	_ =	sdelay $0x3  }
0x34: {  	[smem:$0x3FB9] =	sst s10  }
0x35: {  	s10 =	sld [smem:$0x3FB8];
	_ =	sdelay $0x3  }
0x36: {  	p1 =	seq.s32 s10, $0x1;
	s10 =	sld [smem:$0x3FB9];
	_ =	sdelay $0x3  }
0x37: {  	[smem:$0x3FB9] =	sst s10  }
0x38: {  	s10 =	sld [smem:$0x3FBA]  }
0x39: {  	_ = 	snop;
	(pc) =	sbr.ind lr, $3  }
0x3a: {  	_ = 	snop  }
0x3b: {  	_ = 	snop  }
0x3c: {  	p2 =	seq.s32 s10, $0x1;
	s10 =	sld [smem:$0x3FB9]  }
0x3d: {  	_ =	shalt  }
0x3e: {  	_ =	shalt  }
0x3f: {  	_ =	shalt  }
0x40: {  	_ =	shalt  }
0x41: {  	_ =	shalt  }
0x42: {  	_ =	shalt  }
0x43: {  	_ =	shalt  }
0x44: {  	_ =	shalt  }
0x45: {  	_ =	shalt  }
0x46: {  	_ =	shalt  }
0x47: {  	_ =	shalt  }
0x48: {  	_ =	shalt  }
0x49: {  	_ =	shalt  }
0x4a: {  	_ =	shalt  }
0x4b: {  	_ =	shalt  }
0x4c: {  	_ =	shalt  }
0x4d: {  	_ =	shalt  }
0x4e: {  	_ =	shalt  }
0x4f: {  	_ =	shalt  }
0x50: {  	_ =	shalt  }
0x51: {  	_ =	shalt  }
0x52: {  	_ =	shalt  }
0x53: {  	_ =	shalt  }
0x54: {  	_ =	shalt  }
0x55: {  	_ =	shalt  }
0x56: {  	_ =	shalt  }
0x57: {  	_ =	shalt  }
0x58: {  	_ =	shalt  }
0x59: {  	_ =	shalt  }
0x5a: {  	_ =	shalt  }
0x5b: {  	_ =	shalt  }
0x5c: {  	_ =	shalt  }
0x5d: {  	_ =	shalt  }
0x5e: {  	_ =	shalt  }
0x5f: {  	_ =	shalt  }
0x60: {  	_ =	shalt  }
0x61: {  	_ =	shalt  }
0x62: {  	_ =	shalt  }
0x63: {  	_ =	shalt  }
0x64: {  	_ =	shalt  }
0x65: {  	_ =	shalt  }
0x66: {  	_ =	shalt  }
0x67: {  	_ =	shalt  }
0x68: {  	_ =	shalt  }
0x69: {  	_ =	shalt  }
0x6a: {  	_ =	shalt  }
0x6b: {  	_ =	shalt  }
0x6c: {  	_ =	shalt  }
0x6d: {  	_ =	shalt  }
0x6e: {  	_ =	shalt  }
0x6f: {  	_ =	shalt  }
0x70: {  	_ =	shalt  }
0x71: {  	_ =	shalt  }
0x72: {  	_ =	shalt  }
0x73: {  	_ =	shalt  }
0x74: {  	_ =	shalt  }
0x75: {  	_ =	shalt  }
0x76: {  	_ =	shalt  }
0x77: {  	_ =	shalt  }
0x78: {  	_ =	shalt  }
0x79: {  	_ =	shalt  }
0x7a: {  	_ =	shalt  }
0x7b: {  	_ =	shalt  }
0x7c: {  	_ =	shalt  }
0x7d: {  	_ =	shalt  }
0x7e: {  	_ =	shalt  }
0x7f: {  	_ =	shalt  }
0x80: {  	_ =	shalt  }
0x81: {  	_ =	shalt  }
0x82: {  	_ =	shalt  }
0x83: {  	_ =	shalt  }
0x84: {  	_ =	shalt  }
0x85: {  	_ =	shalt  }
0x86: {  	_ =	shalt  }
0x87: {  	_ =	shalt  }
.Lfunc_end0:
.L_simem_size_0:
called_computation_lowered:
.L_overlay_start_0:
0x88: {  	s2 =	sld [smem:$0x3FD9]  }
0x89: {  	s3 =	sld [smem:$0x3FFE];
	_ =	sdelay $0x1  }
0x8a: {  	s1 =	srdreg.scid  }
0x8b: {  	s0 =	sand.u32 $0x1, s1  }
0x8c: {  	s17 =	sshll.u32 s0, $0xA;
	s2 =	sadd.s32 s3, s2  }
0x8d: {  	s2 =	sadd.s32 s2, s17  }
0x8e: {  	[smem:$0x3FC5] =	sst s2  }
0x8f: {  	_ = 	snop  }
0x90: {  	s2 =	sld [smem:$0x3FD0];
	(tm) =	ssettm $0x1  }
0x91: {  	s18 =	sld [smem:$0x3FFB];
	_ =	sdelay $0x3  }
0x92: {  	_ =	strace s18  }
0x93: {  	s3 =	sld [smem:$0x3FFC];
	_ =	sdelay $0x3  }
0x94: {  	_ =	strace s3  }
0x95: {  	s3 =	sld [smem:$0x3FFD];
	_ =	sdelay $0x3  }
0x96: {  	_ =	strace s3  }
0x97: {  	_ =	strace $0x8FFFFFFF  }
0x98: {  	s19 =	sld [smem:$0x3FDB];
	_ =	sdelay $0x1  }
0x99: {  	s4 =	simm.s32 $_scs_section_size  }
0x9a: {  	s5 =	simm.s32 $_size__tile_overlayer_lowered;
	s6 =	simm.s32 $_tile_overlayer_lowered  }
0x9b: {  	s22 =	simm.s32 $0x1BFF;
	s21 =	sshll.u32 s6, $0x1;
	s3 =	sadd.s32 s4, s19  }
0x9c: {  	s7 =	simm.s32 $0x0;
	s20 =	sshll.u32 s5, $0x1;
	s5 =	sadd.s32 s21, s3  }
0x9d: {  	[timem:s7], [sflag:s22] =	dma.local [hbm:s5], s20  }
0x9e: {  	_ =	swait.ge [sflag:s22], s20  }
0x9f: {  	s4 =	ssub.s32 $0x0, s20;
	[sflag:s22] =	ssyncset.done $0x0  }
0xa0: {  	[sflag:s22] =	ssyncadd.s32 s4;
	_ =	sdelay $0x1  }
0xa1: {  	s23 =	simm.s32 $0x1B8B  }
0xa2: {  	_ =	swait.ge [sflag:s23], $0x1  }
0xa3: {  	[sflag:s23] =	ssyncset.done $0x0  }
0xa4: {  	s25 =	simm.s32 $0x1B8E;
	s24 =	sld [smem:$0x3FFE];
	[sflag:s23] =	ssyncadd.s32 $0xFFFFFFFF  }
0xa5: {  	s26 =	simm.s32 $execute0_lowered;
	[smem:$0x3FD2] =	sst s25  }
0xa6: {  	s5 =	sshll.u32 s26, $0x1;
	_ =	strace $0x80000046;
	[dreg:$0x1] =	wrdreg $0xFFFFFFFF  }
0xa7: {  	s28 =	simm.s32 $_size_execute0_lowered;
	s3 =	sadd.s32 s3, s5;
	[dreg:$0x0] =	wrdreg $0x0  }
0xa8: {  	s5 =	sshll.u32 s28, $0x1;
	[dreg:$0x2] =	wrdreg s3  }
0xa9: {  	[dreg:$0x3] =	wrdreg s5  }
0xaa: {  	[dreg:$0x4] =	wrdreg $0xC0  }
0xab: {  	_ =	task [dreg:s7], $0x5FFFF  }
0xac: {  	[dreg:$0x1] =	wrdreg $0xFFFFFFFF  }
0xad: {  	[dreg:$0x0] =	wrdreg $0x60  }
0xae: {  	[dreg:$0x2] =	wrdreg s24  }
0xaf: {  	[dreg:$0x3] =	wrdreg s2  }
0xb0: {  	[dreg:$0x4] =	wrdreg $0x9  }
0xb1: {  	_ =	task.clear_ibuf [dreg:s7], $0x5FFFF;
	_ =	strace $0x90000046  }
0xb2: {  	s29 =	simm.s32 $0x9;
	_ =	strace $0x80000048  }
0xb3: {  	_ =	swait.ge [sflag:s29], $0x1  }
0xb4: {  	[sflag:s29] =	ssyncadd.s32 $0xFFFFFFFF  }
0xb5: {  	_ =	strace $0x90000048  }
0xb6: {  	_ =	sfence  }
0xb7: {  	s30 =	sld [smem:$0x0];
	_ =	sdelay $0x2  }
0xb8: {  	s31 =	sshll.u32 s1, $0xD;
	s1 =	sshrl.u32 s1, $0x2  }
0xb9: {  	s3 =	sand.u32 $0x4000, s31;
	s1 =	sadd.s32 s1, s30  }
0xba: {  	s0 =	sor.u32 s3, s0;
	s1 =	sshll.u32 s1, $0x11  }
0xbb: {  	s0 =	sor.u32 s1, s0  }
0xbc: {  	s0 =	sadd.s32 $0x8F2B, s0  }
0xbd: {  	[sflag:s0] =	ssyncadd.remote.s32 $0x1  }
0xbe: {  	_ =	sfence.sel $0xFFFF  }
0xbf: {  	[dreg:$0x0] =	wrdreg $0xFFFFFFFF;
	(pc) =	sbr.abs _section_cstart, $3  }
0xc0: {  	[dreg:$0x1] =	wrdreg $0xFFFFFFFF  }
0xc1: {  	_ =	task.clear_ibuf [dreg:s7], $0x2FFFF;
	_ =	strace $0x9FFFFFFF  }
0xc2: {  	(tm) =	ssettm $0x7FFFFFFF  }
0xc3: {  	_ =	shalt  }
tec
execute0_lowered:
.L_overlay_start_1:
0x0: {  	(tag) =	ssettag $0x1  }
0x1: {  	s7 =	rddreg [dreg:$0x0]  }
0x2: {  	s2 =	rddreg [dreg:$0x1]  }
0x3: {  	s0 =	rddreg [dreg:$0x2];
	s3 =	simm.s32 $0x0;
	s4 =	srdreg.scid  }
0x4: {  	s1 =	stileid.u32;
	s11 =	simm.s32 $0x3;
	s12 =	simm.s32 $0x80  }
0x5: {  	[smem:$0x7FF] =	sst s3;
	s4 =	sand.u32 $0x1, s4;
	s5 =	sshll.u32 s1, $0x1  }
0x6: {  	s13 =	simm.s32 $0x1;
	_ =	strace $0x80000047;
	s14 =	sor.u32 s4, s5  }
0x7: {  	s6 =	ssub.s32 $0x2, s4;
	s4 =	sadd.s32 $0x6C00, s7;
	s8 =	smul.u32 $0x680, s14  }
0x8: {  	s5 =	sshll.u32 s14, $0xB;
	s30 =	sshrl.u32 s6, $0x1;
	s15 =	smul.u32 $0x13D620, s14  }
0x9: {  	p0 =	sgt.u32 s14, $0xC;
	s9 =	sadd.s32 s5, s7;
	s10 =	ssub.s32 s6, s30  }
0xa: {  	s5 =	smul.u32 $0xD, s14;
	s7 =	sadd.s32 $0x502E00, s7;
	s14 =	simm.s32 $0x2  }
0xb: {  	s31 =	sand.u32 $0xF800, s8;
	s8 =	sadd.s32 $0x400, s9;
	s9 =	sadd.s32 $0x4FC600, s9  }
0xc: {  	s10 =	smax.u32 s10, $0x1;
	v0 =	vmov s15;
	s15 =	simm.s32 $0x0;
	s6 =	sadd.s32 s2, s31  }
.LBB2_1:
0xd: {  	[tilespmem:s3], [sflag:$0x3] =	stream.linear.gather [hbm4b:s6+s3], $0x4000, $0x38;
	[tilespmem:$0x14000] =	vst v63  }
0xe: {  	_ =	swait.ge [sflag:s11], $0x4000  }
0xf: {  	[sflag:s11] =	ssyncset.done $0x0  }
0x10: {  	s16 =	simm.s32 $0x0;
	s17 =	simm.s32 $0x40;
	[sflag:s11] =	ssyncadd.s32 $0xFFFFC000  }
.LBB2_2:
0x11: {  	p1 =	sne.s32 s17, $0xFFC0;
	v1 =	vld [tilespmem:s16+$0x0];
	_ =	sdelay $0x1  }
.Ltmp0:
0x12: {  	(pc) =	sbr.rel @p1 .LBB2_2-.Ltmp0, $3  }
0x13: {  	_ =	sdelay $0x1  }
0x14: {  	v1 =	vadd.s32 v0, v1  }
0x15: {  	[tilespmem:s16+$0x0] =	vst v1;
	s16 =	sshra.s32 s17, $0x2;
	s17 =	sadd.s32 $0x40, s17  }
0x16: {  	v1 =	vld [tilespmem:s16+$0x0];
	_ =	sdelay $0x4  }
0x17: {  	v1 =	vadd.s32 v0, v1  }
0x18: {  	s17 =	simm.s32 $0x0;
	[tilespmem:s16+$0x0] =	vst v1;
	s16 =	simm.s32 $0x0  }
.LBB2_4:
0x19: {  	p1 =	sne.s32 s17, $0xFE00  }
.Ltmp1:
0x1a: {  	_ = 	snop;
	(pc) =	sbr.rel @p1 .LBB2_4-.Ltmp1, $4  }
0x1b: {  	_ = 	snop  }
0x1c: {  	s18 =	sshra.s32 s17, $0x2  }
0x1d: {  	s17 =	sadd.s32 $0x200, s17;
	s19 =	sadd.s32 $0x8000, s18  }
0x1e: {  	[tilespmem:s19], [sflag:$0x1] =	stream.indirect.gather [hbm4b:s4+s12], $0x1, s18, s12, $0xb8;
	[tilespmem:$0x14000] =	vst v63  }
0x1f: {  	p1 =	por $0x1, $0x1  }
.LBB2_6:
0x20: {  	p2 =	seq.s32 s16, $0xC  }
.Ltmp2:
0x21: {  	_ = 	snop;
	(pc) =	sbr.rel @p2 .LBB2_12-.Ltmp2, $2  }
0x22: {  	_ =	sdelay $0x2  }
0x23: {  	s17 =	sadd.s32 $0x1, s16  }
0x24: {  	s19 =	sadd.s32 s5, s17;
	s18 =	simm.s32 $0x1  }
0x25: {  	s20 =	sshll.u32 s19, $0x7;
	s18 =	simm.s32 @!p1 $0x0  }
0x26: {  	s21 =	sshll.u32 s17, $0xE;
	s20 =	sand.u32 $0x1FFFF800, s20;
	s18 =	sshll.u32 s18, $0xE  }
0x27: {  	s22 =	simm.s32 $0x0;
	s21 =	sand.u32 $0x4000, s21;
	s20 =	sadd.s32 s2, s20;
	v1 =	vmov s18  }
0x28: {  	[tilespmem:s21], [sflag:$0x3] =	stream.linear.gather [hbm4b:s20+s22], $0x4000, $0x38;
	[tilespmem:$0x14000] =	vst v63  }
0x29: {  	s31 =	smul.u32 $0x186A0, s19;
	_ =	swait.ge [sflag:s11], $0x4000  }
0x2a: {  	s19 =	sor.u32 $0x8000, s18;
	[sflag:s11] =	ssyncset.done $0x0  }
0x2b: {  	v2 =	vmov s31;
	s20 =	simm.s32 $0x0;
	s21 =	simm.s32 $0x40;
	[sflag:s11] =	ssyncadd.s32 $0xFFFFC000  }
.LBB2_8:
0x2c: {  	p2 =	sne.s32 s21, $0xFFC0;
	v3 =	vld.idx.msk [tilespmem:v1+s20+$0x0 ss:$0x1], $0xffff;
	_ =	sdelay $0x2  }
.Ltmp3:
0x2d: {  	(pc) =	sbr.rel @p2 .LBB2_8-.Ltmp3, $3  }
0x2e: {  	_ =	sdelay $0x1  }
0x2f: {  	v3 =	vadd.s32 v2, v3  }
0x30: {  	[tilespmem:v1+s20+$0x0 ss:$0x1] =	vst.idx.msk $0xffff, v3;
	s20 =	sshra.s32 s21, $0x2;
	s21 =	sadd.s32 $0x40, s21  }
0x31: {  	_ =	sdelay $0x3  }
0x32: {  	v3 =	vld.idx.msk [tilespmem:v1+s20+$0x0 ss:$0x1], $0xffff;
	_ =	sdelay $0x4  }
0x33: {  	p2 =	seq.s32 s16, $0x0;
	v2 =	vadd.s32 v2, v3  }
0x34: {  	[tilespmem:v1+s20+$0x0 ss:$0x1] =	vst.idx.msk $0xffff, v2;
	s20 =	simm.s32 @!p2 $0x2  }
0x35: {  	_ =	swait.ge @!p2 [sflag:s20], $0x4000  }
0x36: {  	s21 =	sadd.s32 $0x0, s19;
	[sflag:s20] =	ssyncset.done @!p2 $0x0  }
0x37: {  	s22 =	sadd.s32 $0x0, s18;
	[sflag:s20] =	ssyncadd.s32 @!p2 $0xFFFFC000;
	s20 =	simm.s32 $0x200  }
.LBB2_10:
0x38: {  	[tilespmem:s21], [sflag:$0x1] =	stream.indirect.gather [hbm4b:s4+s12], $0x1, s22, s12, $0xb8;
	[tilespmem:$0x14000] =	vst v63  }
0x39: {  	s21 =	smov.u32 s20;
	p2 =	sne.s32 s20, $0xFE00  }
.Ltmp4:
0x3a: {  	s20 =	sadd.s32 $0x200, s20;
	(pc) =	sbr.rel @p2 .LBB2_10-.Ltmp4, $3  }
0x3b: {  	_ =	sdelay $0x1  }
0x3c: {  	s22 =	sshra.s32 s21, $0x2  }
0x3d: {  	s21 =	sadd.s32 s22, s19;
	s22 =	sadd.s32 s22, s18  }
0x3e: {  	[tilespmem:s21], [sflag:$0x1] =	stream.indirect.gather [hbm4b:s4+s12], $0x1, s22, s12, $0xb8;
	[tilespmem:$0x14000] =	vst v63  }
.LBB2_12:
0x3f: {  	_ =	swait.ge [sflag:s13], $0x80  }
0x40: {  	s18 =	simm.s32 $0x7F;
	[sflag:s13] =	ssyncset.done $0x0  }
.LBB2_13:
0x41: {  	p2 =	sne.s32 s18, $0x1;
	s18 =	sadd.s32 $0xFFFFFFFF, s18;
	[sflag:s13] =	ssyncadd.s32 $0xFFFFFF80  }
.Ltmp5:
0x42: {  	(pc) =	sbr.rel @p2 .LBB2_13-.Ltmp5, $3  }
0x43: {  	_ =	sdelay $0x1  }
0x44: {  	_ =	swait.ge [sflag:s13], $0x80  }
0x45: {  	[sflag:s13] =	ssyncset.done $0x0  }
0x46: {  	p2 =	sne.s32 s17, $0xD  }
.Ltmp6:
0x47: {  	s18 =	sadd.s32 s5, s16;
	s31 =	sshll.u32 s16, $0xE;
	(pc) =	sbr.rel @p2 .LBB2_6-.Ltmp6, $4  }
0x48: {  	s18 =	sshll.u32 s18, $0xB;
	s16 =	sand.u32 $0x4000, s31  }
0x49: {  	[sflag:s13] =	ssyncadd.s32 $0xFFFFFF80;
	s18 =	sadd.s32 s18, s7;
	s16 =	sor.u32 $0x8000, s16  }
0x4a: {  	[hbm4b:s18+s3] =	stream.linear.scatter [tilespmem:s16], [sflag:$0x2], $0x4000, $0x38;
	[tilespmem:$0x14000] =	vst v63  }
0x4b: {  	p1 =	por !p1, !p1;
	s16 =	smov.u32 s17  }
0x4c: {  	_ =	swait.ge [sflag:s14], $0x4000  }
0x4d: {  	[sflag:s14] =	ssyncset.done $0x0  }
0x4e: {  	[sflag:s14] =	ssyncadd.s32 $0xFFFFC000  }
0x4f: {  	_ =	swait.ge [sflag:s14], $0x4000  }
0x50: {  	s16 =	simm.s32 @!p0 $0x0;
	[sflag:s14] =	ssyncset.done $0x0  }
0x51: {  	s17 =	simm.s32 @!p0 $0x10000;
	s18 =	simm.s32 @!p0 $0x3;
	[sflag:s14] =	ssyncadd.s32 $0xFFFFC000  }
0x52: {  	[tilespmem:s17], [sflag:$0x3] =	stream.linear.gather @!p0 [hbm4b:s8+s16], $0x4000, $0x38;
	[tilespmem:$0x14000] =	vst v63  }
0x53: {  	s15 =	sadd.s32 $0x1, s15;
	_ =	swait.ge @!p0 [sflag:s18], $0x4000  }
0x54: {  	p1 =	sne.s32 s15, s10;
	[sflag:s18] =	ssyncset.done @!p0 $0x0  }
.Ltmp7:
0x55: {  	[sflag:s18] =	ssyncadd.s32 @!p0 $0xFFFFC000;
	(pc) =	sbr.rel @p1 .LBB2_1-.Ltmp7, $4  }
0x56: {  	[hbm4b:s9+s16] =	stream.linear.scatter @!p0 [tilespmem:s17], [sflag:$0x3], $0x4000, $0x38;
	[tilespmem:$0x14000] =	vst v63  }
0x57: {  	_ =	swait.ge @!p0 [sflag:s18], $0x4000  }
0x58: {  	[sflag:s18] =	ssyncset.done @!p0 $0x0  }
0x59: {  	[sflag:s18] =	ssyncadd.s32 @!p0 $0xFFFFC000  }
0x5a: {  	_ =	sfence.sel $0x180000  }
0x5b: {  	[bflag:$0x0] =	sbarrier.arrive $0xFFFF  }
0x5c: {  	p0 =	sne.s32 s1, $0x0;
	_ =	strace $0x90000047  }
0x5d: {  	s0 =	sadd.s32 @!p0 $0x100000, s0;
	[bflag:$0x2] =	sbarrier.arrive $0xFFFF  }
0x5e: {  	[sflag:s0] =	ssyncadd.tile.s32 @!p0 $0x1;
	_ =	shalt  }
.Lfunc_end2:
_tile_overlayer_lowered:
.L_overlay_start_2:
0x5f: {  	(tag) =	ssettag $0x2  }
0x60: {  	s0 =	rddreg [dreg:$0x0];
	s2 =	stileid.u32  }
0x61: {  	s1 =	rddreg [dreg:$0x1];
	p0 =	sne.s32 s2, $0x0  }
0x62: {  	s3 =	rddreg [dreg:$0x2];
	[bflag:$0x3] =	sbarrier.arrive $0xFFFF;
	s2 =	simm.s32 @!p0 $0x1C03  }
0x63: {  	[timem:s3], [sflag:s2] =	dma.local @!p0 [hbm:s0], s1  }
0x64: {  	s0 =	simm.s32 @!p0 $0x3  }
0x65: {  	_ =	swait.ge @!p0 [sflag:s0], s1  }
0x66: {  	s1 =	ssub.s32 @!p0 $0x0, s1;
	[sflag:s0] =	ssyncset.done @!p0 $0x0  }
0x67: {  	[sflag:s0] =	ssyncadd.s32 @!p0 s1  }
0x68: {  	[bflag:$0x3] =	sbarrier.arrive $0xFFFF  }
0x69: {  	_ =	shalt  }

</sc_bundles>
